<compile_context>
chip_gen: v7x
topology: tpu7x:2x2x1
jax: 0.10.2.dev20260603
libtpu: 0.0.44.dev20260713+nightly
codegen_flags: <defaults>
</compile_context>

<pallas_src>
import functools

import jax
import jax.numpy as jnp
from jax import lax
from jax.experimental import pallas as pl
from jax.experimental.pallas import tpu as pltpu
from jax.experimental.pallas import tpu_sc as plsc

_B = 16384
_D = 128
_NC = 2
_NS = 16
_NW = _NC * _NS
_BPW = _B // _NW
_CH = 128
_NCHUNK = _BPW // _CH
_V = 1000
_VPT = 64

_mesh = plsc.VectorSubcoreMesh(core_axis_name="c", subcore_axis_name="s")


@functools.partial(
    pl.kernel,
    mesh=_mesh,
    out_type=jax.ShapeDtypeStruct((_B, _D), jnp.float32),
    scratch_types=[
        pltpu.VMEM((_NCHUNK, _CH), jnp.int32),
        pltpu.VMEM((_NCHUNK, _CH, _D), jnp.float32),
        pltpu.VMEM_SHARED((_V, _D), jnp.float32),
        pltpu.SemaphoreType.DMA,
        pltpu.SemaphoreType.DMA,
    ],
)
def _embed(labels_hbm, table_hbm, out_hbm, idx_v, rows_v, tab_sh, gsem, ssem):
    sid = lax.axis_index("s")
    wid = sid * _NC + lax.axis_index("c")
    base = wid * _BPW

    @pl.when(sid < 15)
    def _stage_table():
        r0 = sid * _VPT
        pltpu.sync_copy(
            table_hbm.at[pl.ds(r0, _VPT)], tab_sh.at[pl.ds(r0, _VPT)]
        )

    @pl.when(sid == 15)
    def _stage_tail():
        pltpu.sync_copy(
            table_hbm.at[pl.ds(15 * _VPT, _V - 15 * _VPT)],
            tab_sh.at[pl.ds(15 * _VPT, _V - 15 * _VPT)],
        )

    pltpu.sync_copy(labels_hbm.at[wid], idx_v)
    plsc.subcore_barrier()
    gathers = [
        pltpu.async_copy(tab_sh.at[idx_v.at[j]], rows_v.at[j], gsem)
        for j in range(_NCHUNK)
    ]
    stores = []
    for j in range(_NCHUNK):
        gathers[j].wait()
        stores.append(
            pltpu.async_copy(
                rows_v.at[j], out_hbm.at[pl.ds(base + j * _CH, _CH)], ssem
            )
        )
    for s in stores:
        s.wait()


def kernel(labels, embedding_table):
    lab = labels.astype(jnp.int32).reshape(_NW, _NCHUNK, _CH)
    return _embed(lab, embedding_table)

# --- scband reference (transcript-rebuilt; emitter-appended) ---
"""Pipeline reference for scband-simplified-label-embedder-88768384074330 (READ-ONLY COPY).

The authoritative reference and input builder live on the scoring server;
editing this copy changes nothing except your own understanding.
"""

import jax, jax.numpy as jnp
import numpy as np

NUM_CLASSES = 1000
HIDDEN_DIM = 128
BATCH = 16384

def setup_inputs(seed: int = 0) -> dict:
    key = jax.random.key(seed)
    k_lab, k_tab = jax.random.split(key)
    labels = jax.random.randint(k_lab, (BATCH,), 0, NUM_CLASSES, dtype=jnp.int64 if jax.config.jax_enable_x64 else jnp.int32)
    embedding_table = jax.random.normal(k_tab, (NUM_CLASSES, HIDDEN_DIM), dtype=jnp.float32)
    return {"labels": labels, "embedding_table": embedding_table}

def reference(labels, embedding_table):
    # nn.Embedding forward: gather rows of the table by label index
    return jnp.take(embedding_table, labels, axis=0)

if __name__ == "__main__":
    import jax
    _d = setup_inputs()
    print(jax.jit(kernel)(*tuple(_d.values())))

</pallas_src>

<mosaic_0001>
#map = affine_map<(d0, d1) -> (0, 0, 0)>
#map1 = affine_map<(d0, d1) -> (0, 0)>
module attributes {stable_mosaic.version = 14 : i64} {
  func.func @_embed(%arg0: i32, %arg1: i32, %arg2: memref<32x4x128xi32, #tpu.memory_space<hbm>>, %arg3: memref<1000x128xf32, #tpu.memory_space<hbm>>, %arg4: memref<16384x128xf32, #tpu.memory_space<hbm>>, %arg5: memref<4x128xi32, #tpu.memory_space<vmem>>, %arg6: memref<4x128x128xf32, #tpu.memory_space<vmem>>, %arg7: memref<1000x128xf32, #tpu.memory_space<vmem_shared>>, %arg8: memref<!tpu.dma_semaphore, #tpu.memory_space<semaphore_mem>>, %arg9: memref<!tpu.dma_semaphore, #tpu.memory_space<semaphore_mem>>) attributes {dimension_semantics = [#tpu.dimension_semantics<core_parallel>, #tpu.dimension_semantics<subcore_parallel>], iteration_bounds = array<i64: 2, 16>, scalar_prefetch = 0 : i64, scratch_operands = 5 : i64, tpu.core_type = #tpu.core_type<sc_vector_subcore>, window_params = [{transform_indices = #map}, {transform_indices = #map1}, {transform_indices = #map1}]} {
    %mul3A = arith.constant 2 : i32
    %mul3A_0 = arith.muli %arg1, %mul3A : i32
    %add3A = arith.addi %mul3A_0, %arg0 : i32
    %mul3A_1 = arith.constant 512 : i32
    %mul3A_2 = arith.muli %add3A, %mul3A_1 : i32
    %lt3A = arith.constant 15 : i32
    %lt3A_3 = arith.cmpi slt, %arg1, %lt3A : i32
    %convert_element_type3A = arith.extui %lt3A_3 : i1 to i32
    %cond3A = arith.constant 0 : i32
    %cond3A_4 = arith.cmpi ne, %convert_element_type3A, %cond3A : i32
    scf.if %cond3A_4 {
      %mul3A_215 = arith.constant 64 : i32
      %mul3A_216 = arith.muli %arg1, %mul3A_215 : i32
      "tpu.region"() ({
        %run_scoped3A = tpu.sem_alloc : memref<!tpu.dma_semaphore, #tpu.memory_space<semaphore_mem>>
        %dma_start3A_217 = arith.constant 0 : i32
        %dma_start3A_218 = tpu.memref_slice %arg7[%mul3A_216, %dma_start3A_217] : memref<1000x128xf32, #tpu.memory_space<vmem_shared>> -> memref<64x128xf32, #tpu.memory_space<vmem_shared>>
        %dma_start3A_219 = arith.constant 0 : i32
        %dma_start3A_220 = tpu.memref_slice %arg3[%mul3A_216, %dma_start3A_219] : memref<1000x128xf32, #tpu.memory_space<hbm>> -> memref<64x128xf32, #tpu.memory_space<hbm>>
        tpu.enqueue_dma source(%dma_start3A_220 : memref<64x128xf32, #tpu.memory_space<hbm>>) target(%dma_start3A_218 : memref<64x128xf32, #tpu.memory_space<vmem_shared>>) target_semaphore(%run_scoped3A : memref<!tpu.dma_semaphore, #tpu.memory_space<semaphore_mem>>)
        %dma_wait3A_221 = arith.constant 0 : i32
        %dma_wait3A_222 = tpu.memref_slice %arg7[%mul3A_216, %dma_wait3A_221] : memref<1000x128xf32, #tpu.memory_space<vmem_shared>> -> memref<64x128xf32, #tpu.memory_space<vmem_shared>>
        %dma_wait3A_223 = arith.constant 0 : i32
        %dma_wait3A_224 = tpu.memref_slice %arg3[%mul3A_216, %dma_wait3A_223] : memref<1000x128xf32, #tpu.memory_space<hbm>> -> memref<64x128xf32, #tpu.memory_space<hbm>>
        tpu.wait_dma2 semaphore(%run_scoped3A : memref<!tpu.dma_semaphore, #tpu.memory_space<semaphore_mem>>) src(%dma_wait3A_224 : memref<64x128xf32, #tpu.memory_space<hbm>>) dst(%dma_wait3A_222 : memref<64x128xf32, #tpu.memory_space<vmem_shared>>)
        tpu.yield
      }) : () -> ()
    } else {
    }
    %eq3A = arith.constant 15 : i32
    %eq3A_5 = arith.cmpi eq, %arg1, %eq3A : i32
    %convert_element_type3A_6 = arith.extui %eq3A_5 : i1 to i32
    %cond3A_7 = arith.constant 0 : i32
    %cond3A_8 = arith.cmpi ne, %convert_element_type3A_6, %cond3A_7 : i32
    scf.if %cond3A_8 {
      "tpu.region"() ({
        %run_scoped3A = tpu.sem_alloc : memref<!tpu.dma_semaphore, #tpu.memory_space<semaphore_mem>>
        %dma_start3A_215 = arith.constant 960 : i32
        %dma_start3A_216 = arith.constant 0 : i32
        %dma_start3A_217 = tpu.memref_slice %arg7[%dma_start3A_215, %dma_start3A_216] : memref<1000x128xf32, #tpu.memory_space<vmem_shared>> -> memref<40x128xf32, #tpu.memory_space<vmem_shared>>
        %dma_start3A_218 = arith.constant 960 : i32
        %dma_start3A_219 = arith.constant 0 : i32
        %dma_start3A_220 = tpu.memref_slice %arg3[%dma_start3A_218, %dma_start3A_219] : memref<1000x128xf32, #tpu.memory_space<hbm>> -> memref<40x128xf32, #tpu.memory_space<hbm>>
        tpu.enqueue_dma source(%dma_start3A_220 : memref<40x128xf32, #tpu.memory_space<hbm>>) target(%dma_start3A_217 : memref<40x128xf32, #tpu.memory_space<vmem_shared>>) target_semaphore(%run_scoped3A : memref<!tpu.dma_semaphore, #tpu.memory_space<semaphore_mem>>)
        %dma_wait3A_221 = arith.constant 960 : i32
        %dma_wait3A_222 = arith.constant 0 : i32
        %dma_wait3A_223 = tpu.memref_slice %arg7[%dma_wait3A_221, %dma_wait3A_222] : memref<1000x128xf32, #tpu.memory_space<vmem_shared>> -> memref<40x128xf32, #tpu.memory_space<vmem_shared>>
        %dma_wait3A_224 = arith.constant 960 : i32
        %dma_wait3A_225 = arith.constant 0 : i32
        %dma_wait3A_226 = tpu.memref_slice %arg3[%dma_wait3A_224, %dma_wait3A_225] : memref<1000x128xf32, #tpu.memory_space<hbm>> -> memref<40x128xf32, #tpu.memory_space<hbm>>
        tpu.wait_dma2 semaphore(%run_scoped3A : memref<!tpu.dma_semaphore, #tpu.memory_space<semaphore_mem>>) src(%dma_wait3A_226 : memref<40x128xf32, #tpu.memory_space<hbm>>) dst(%dma_wait3A_223 : memref<40x128xf32, #tpu.memory_space<vmem_shared>>)
        tpu.yield
      }) : () -> ()
    } else {
    }
    "tpu.region"() ({
      %run_scoped3A = tpu.sem_alloc : memref<!tpu.dma_semaphore, #tpu.memory_space<semaphore_mem>>
      %dma_start3A_215 = arith.constant 0 : i32
      %dma_start3A_216 = arith.constant 0 : i32
      %dma_start3A_217 = tpu.memref_slice %arg2[%add3A, %dma_start3A_215, %dma_start3A_216] : memref<32x4x128xi32, #tpu.memory_space<hbm>> -> memref<1x4x128xi32, #tpu.memory_space<hbm>>
      %dma_start3A_218 = tpu.memref_squeeze %dma_start3A_217 : memref<1x4x128xi32, #tpu.memory_space<hbm>> -> memref<4x128xi32, #tpu.memory_space<hbm>>
      %dma_start3A_219 = arith.constant 0 : i32
      %dma_start3A_220 = arith.constant 0 : i32
      %dma_start3A_221 = tpu.memref_slice %arg2[%add3A, %dma_start3A_219, %dma_start3A_220] : memref<32x4x128xi32, #tpu.memory_space<hbm>> -> memref<1x4x128xi32, #tpu.memory_space<hbm>>
      %dma_start3A_222 = tpu.memref_squeeze %dma_start3A_221 : memref<1x4x128xi32, #tpu.memory_space<hbm>> -> memref<4x128xi32, #tpu.memory_space<hbm>>
      tpu.enqueue_dma source(%dma_start3A_222 : memref<4x128xi32, #tpu.memory_space<hbm>>) target(%arg5 : memref<4x128xi32, #tpu.memory_space<vmem>>) target_semaphore(%run_scoped3A : memref<!tpu.dma_semaphore, #tpu.memory_space<semaphore_mem>>)
      %dma_wait3A_223 = arith.constant 0 : i32
      %dma_wait3A_224 = arith.constant 0 : i32
      %dma_wait3A_225 = tpu.memref_slice %arg2[%add3A, %dma_wait3A_223, %dma_wait3A_224] : memref<32x4x128xi32, #tpu.memory_space<hbm>> -> memref<1x4x128xi32, #tpu.memory_space<hbm>>
      %dma_wait3A_226 = tpu.memref_squeeze %dma_wait3A_225 : memref<1x4x128xi32, #tpu.memory_space<hbm>> -> memref<4x128xi32, #tpu.memory_space<hbm>>
      %dma_wait3A_227 = arith.constant 0 : i32
      %dma_wait3A_228 = arith.constant 0 : i32
      %dma_wait3A_229 = tpu.memref_slice %arg2[%add3A, %dma_wait3A_227, %dma_wait3A_228] : memref<32x4x128xi32, #tpu.memory_space<hbm>> -> memref<1x4x128xi32, #tpu.memory_space<hbm>>
      %dma_wait3A_230 = tpu.memref_squeeze %dma_wait3A_229 : memref<1x4x128xi32, #tpu.memory_space<hbm>> -> memref<4x128xi32, #tpu.memory_space<hbm>>
      tpu.wait_dma2 semaphore(%run_scoped3A : memref<!tpu.dma_semaphore, #tpu.memory_space<semaphore_mem>>) src(%dma_wait3A_230 : memref<4x128xi32, #tpu.memory_space<hbm>>) dst(%arg5 : memref<4x128xi32, #tpu.memory_space<vmem>>)
      tpu.yield
    }) : () -> ()
    %barrier3A = arith.constant 0 : index
    tpu.barrier barrier_id(%barrier3A)
    %dma_start3A = arith.constant 0 : i32
    %dma_start3A_9 = arith.constant 0 : i32
    %dma_start3A_10 = arith.constant 0 : i32
    %dma_start3A_11 = arith.constant 0 : i32
    %dma_start3A_12 = tpu.memref_slice %arg6[%dma_start3A_9, %dma_start3A_10, %dma_start3A_11] : memref<4x128x128xf32, #tpu.memory_space<vmem>> -> memref<1x128x128xf32, #tpu.memory_space<vmem>>
    %dma_start3A_13 = tpu.memref_squeeze %dma_start3A_12 : memref<1x128x128xf32, #tpu.memory_space<vmem>> -> memref<128x128xf32, #tpu.memory_space<vmem>>
    %dma_start3A_14 = arith.constant 0 : i32
    %dma_start3A_15 = tpu.memref_slice %arg5[%dma_start3A, %dma_start3A_14] : memref<4x128xi32, #tpu.memory_space<vmem>> -> memref<1x128xi32, #tpu.memory_space<vmem>>
    %dma_start3A_16 = tpu.memref_squeeze %dma_start3A_15 : memref<1x128xi32, #tpu.memory_space<vmem>> -> memref<128xi32, #tpu.memory_space<vmem>>
    %dma_start3A_17 = arith.constant 0 : i32
    %dma_start3A_18 = arith.constant 0 : i32
    %dma_start3A_19 = tpu.memref_slice %arg7[%dma_start3A_17, %dma_start3A_18] : memref<1000x128xf32, #tpu.memory_space<vmem_shared>> -> memref<1000x128xf32, #tpu.memory_space<vmem_shared>>
    tpu.enqueue_indirect_dma source(%dma_start3A_19 : memref<1000x128xf32, #tpu.memory_space<vmem_shared>>) target(%dma_start3A_13 : memref<128x128xf32, #tpu.memory_space<vmem>>) offsets(%dma_start3A_16 : memref<128xi32, #tpu.memory_space<vmem>>) semaphore(%arg8 : memref<!tpu.dma_semaphore, #tpu.memory_space<semaphore_mem>>)
    %dma_start3A_20 = arith.constant 1 : i32
    %dma_start3A_21 = arith.constant 1 : i32
    %dma_start3A_22 = arith.constant 0 : i32
    %dma_start3A_23 = arith.constant 0 : i32
    %dma_start3A_24 = tpu.memref_slice %arg6[%dma_start3A_21, %dma_start3A_22, %dma_start3A_23] : memref<4x128x128xf32, #tpu.memory_space<vmem>> -> memref<1x128x128xf32, #tpu.memory_space<vmem>>
    %dma_start3A_25 = tpu.memref_squeeze %dma_start3A_24 : memref<1x128x128xf32, #tpu.memory_space<vmem>> -> memref<128x128xf32, #tpu.memory_space<vmem>>
    %dma_start3A_26 = arith.constant 0 : i32
    %dma_start3A_27 = tpu.memref_slice %arg5[%dma_start3A_20, %dma_start3A_26] : memref<4x128xi32, #tpu.memory_space<vmem>> -> memref<1x128xi32, #tpu.memory_space<vmem>>
    %dma_start3A_28 = tpu.memref_squeeze %dma_start3A_27 : memref<1x128xi32, #tpu.memory_space<vmem>> -> memref<128xi32, #tpu.memory_space<vmem>>
    %dma_start3A_29 = arith.constant 0 : i32
    %dma_start3A_30 = arith.constant 0 : i32
    %dma_start3A_31 = tpu.memref_slice %arg7[%dma_start3A_29, %dma_start3A_30] : memref<1000x128xf32, #tpu.memory_space<vmem_shared>> -> memref<1000x128xf32, #tpu.memory_space<vmem_shared>>
    tpu.enqueue_indirect_dma source(%dma_start3A_31 : memref<1000x128xf32, #tpu.memory_space<vmem_shared>>) target(%dma_start3A_25 : memref<128x128xf32, #tpu.memory_space<vmem>>) offsets(%dma_start3A_28 : memref<128xi32, #tpu.memory_space<vmem>>) semaphore(%arg8 : memref<!tpu.dma_semaphore, #tpu.memory_space<semaphore_mem>>)
    %dma_start3A_32 = arith.constant 2 : i32
    %dma_start3A_33 = arith.constant 2 : i32
    %dma_start3A_34 = arith.constant 0 : i32
    %dma_start3A_35 = arith.constant 0 : i32
    %dma_start3A_36 = tpu.memref_slice %arg6[%dma_start3A_33, %dma_start3A_34, %dma_start3A_35] : memref<4x128x128xf32, #tpu.memory_space<vmem>> -> memref<1x128x128xf32, #tpu.memory_space<vmem>>
    %dma_start3A_37 = tpu.memref_squeeze %dma_start3A_36 : memref<1x128x128xf32, #tpu.memory_space<vmem>> -> memref<128x128xf32, #tpu.memory_space<vmem>>
    %dma_start3A_38 = arith.constant 0 : i32
    %dma_start3A_39 = tpu.memref_slice %arg5[%dma_start3A_32, %dma_start3A_38] : memref<4x128xi32, #tpu.memory_space<vmem>> -> memref<1x128xi32, #tpu.memory_space<vmem>>
    %dma_start3A_40 = tpu.memref_squeeze %dma_start3A_39 : memref<1x128xi32, #tpu.memory_space<vmem>> -> memref<128xi32, #tpu.memory_space<vmem>>
    %dma_start3A_41 = arith.constant 0 : i32
    %dma_start3A_42 = arith.constant 0 : i32
    %dma_start3A_43 = tpu.memref_slice %arg7[%dma_start3A_41, %dma_start3A_42] : memref<1000x128xf32, #tpu.memory_space<vmem_shared>> -> memref<1000x128xf32, #tpu.memory_space<vmem_shared>>
    tpu.enqueue_indirect_dma source(%dma_start3A_43 : memref<1000x128xf32, #tpu.memory_space<vmem_shared>>) target(%dma_start3A_37 : memref<128x128xf32, #tpu.memory_space<vmem>>) offsets(%dma_start3A_40 : memref<128xi32, #tpu.memory_space<vmem>>) semaphore(%arg8 : memref<!tpu.dma_semaphore, #tpu.memory_space<semaphore_mem>>)
    %dma_start3A_44 = arith.constant 3 : i32
    %dma_start3A_45 = arith.constant 3 : i32
    %dma_start3A_46 = arith.constant 0 : i32
    %dma_start3A_47 = arith.constant 0 : i32
    %dma_start3A_48 = tpu.memref_slice %arg6[%dma_start3A_45, %dma_start3A_46, %dma_start3A_47] : memref<4x128x128xf32, #tpu.memory_space<vmem>> -> memref<1x128x128xf32, #tpu.memory_space<vmem>>
    %dma_start3A_49 = tpu.memref_squeeze %dma_start3A_48 : memref<1x128x128xf32, #tpu.memory_space<vmem>> -> memref<128x128xf32, #tpu.memory_space<vmem>>
    %dma_start3A_50 = arith.constant 0 : i32
    %dma_start3A_51 = tpu.memref_slice %arg5[%dma_start3A_44, %dma_start3A_50] : memref<4x128xi32, #tpu.memory_space<vmem>> -> memref<1x128xi32, #tpu.memory_space<vmem>>
    %dma_start3A_52 = tpu.memref_squeeze %dma_start3A_51 : memref<1x128xi32, #tpu.memory_space<vmem>> -> memref<128xi32, #tpu.memory_space<vmem>>
    %dma_start3A_53 = arith.constant 0 : i32
    %dma_start3A_54 = arith.constant 0 : i32
    %dma_start3A_55 = tpu.memref_slice %arg7[%dma_start3A_53, %dma_start3A_54] : memref<1000x128xf32, #tpu.memory_space<vmem_shared>> -> memref<1000x128xf32, #tpu.memory_space<vmem_shared>>
    tpu.enqueue_indirect_dma source(%dma_start3A_55 : memref<1000x128xf32, #tpu.memory_space<vmem_shared>>) target(%dma_start3A_49 : memref<128x128xf32, #tpu.memory_space<vmem>>) offsets(%dma_start3A_52 : memref<128xi32, #tpu.memory_space<vmem>>) semaphore(%arg8 : memref<!tpu.dma_semaphore, #tpu.memory_space<semaphore_mem>>)
    %dma_wait3A = arith.constant 0 : i32
    %dma_wait3A_56 = arith.constant 0 : i32
    %dma_wait3A_57 = arith.constant 0 : i32
    %dma_wait3A_58 = arith.constant 0 : i32
    %dma_wait3A_59 = tpu.memref_slice %arg6[%dma_wait3A_56, %dma_wait3A_57, %dma_wait3A_58] : memref<4x128x128xf32, #tpu.memory_space<vmem>> -> memref<1x128x128xf32, #tpu.memory_space<vmem>>
    %dma_wait3A_60 = tpu.memref_squeeze %dma_wait3A_59 : memref<1x128x128xf32, #tpu.memory_space<vmem>> -> memref<128x128xf32, #tpu.memory_space<vmem>>
    %dma_wait3A_61 = arith.constant 0 : i32
    %dma_wait3A_62 = tpu.memref_slice %arg5[%dma_wait3A, %dma_wait3A_61] : memref<4x128xi32, #tpu.memory_space<vmem>> -> memref<1x128xi32, #tpu.memory_space<vmem>>
    %dma_wait3A_63 = tpu.memref_squeeze %dma_wait3A_62 : memref<1x128xi32, #tpu.memory_space<vmem>> -> memref<128xi32, #tpu.memory_space<vmem>>
    %dma_wait3A_64 = arith.constant 0 : i32
    %dma_wait3A_65 = arith.constant 0 : i32
    %dma_wait3A_66 = tpu.memref_slice %arg7[%dma_wait3A_64, %dma_wait3A_65] : memref<1000x128xf32, #tpu.memory_space<vmem_shared>> -> memref<1000x128xf32, #tpu.memory_space<vmem_shared>>
    tpu.wait_indirect_dma semaphore(%arg8 : memref<!tpu.dma_semaphore, #tpu.memory_space<semaphore_mem>>) src(%dma_wait3A_66 : memref<1000x128xf32, #tpu.memory_space<vmem_shared>>) dst(%dma_wait3A_60 : memref<128x128xf32, #tpu.memory_space<vmem>>)
    %add3A_67 = arith.constant 0 : i32
    %add3A_68 = arith.addi %mul3A_2, %add3A_67 : i32
    %dma_start3A_69 = arith.constant 0 : i32
    %dma_start3A_70 = arith.constant 0 : i32
    %dma_start3A_71 = arith.constant 0 : i32
    %dma_start3A_72 = tpu.memref_slice %arg6[%dma_start3A_69, %dma_start3A_70, %dma_start3A_71] : memref<4x128x128xf32, #tpu.memory_space<vmem>> -> memref<1x128x128xf32, #tpu.memory_space<vmem>>
    %dma_start3A_73 = tpu.memref_squeeze %dma_start3A_72 : memref<1x128x128xf32, #tpu.memory_space<vmem>> -> memref<128x128xf32, #tpu.memory_space<vmem>>
    %dma_start3A_74 = arith.constant 0 : i32
    %dma_start3A_75 = tpu.memref_slice %arg4[%add3A_68, %dma_start3A_74] : memref<16384x128xf32, #tpu.memory_space<hbm>> -> memref<128x128xf32, #tpu.memory_space<hbm>>
    %dma_start3A_76 = arith.constant 0 : i32
    %dma_start3A_77 = tpu.memref_slice %arg4[%add3A_68, %dma_start3A_76] : memref<16384x128xf32, #tpu.memory_space<hbm>> -> memref<128x128xf32, #tpu.memory_space<hbm>>
    %dma_start3A_78 = arith.constant 0 : i32
    %dma_start3A_79 = arith.constant 0 : i32
    %dma_start3A_80 = tpu.memref_slice %arg6[%dma_start3A_69, %dma_start3A_78, %dma_start3A_79] : memref<4x128x128xf32, #tpu.memory_space<vmem>> -> memref<1x128x128xf32, #tpu.memory_space<vmem>>
    %dma_start3A_81 = tpu.memref_squeeze %dma_start3A_80 : memref<1x128x128xf32, #tpu.memory_space<vmem>> -> memref<128x128xf32, #tpu.memory_space<vmem>>
    tpu.enqueue_dma source(%dma_start3A_81 : memref<128x128xf32, #tpu.memory_space<vmem>>) target(%dma_start3A_77 : memref<128x128xf32, #tpu.memory_space<hbm>>) target_semaphore(%arg9 : memref<!tpu.dma_semaphore, #tpu.memory_space<semaphore_mem>>)
    %dma_wait3A_82 = arith.constant 1 : i32
    %dma_wait3A_83 = arith.constant 1 : i32
    %dma_wait3A_84 = arith.constant 0 : i32
    %dma_wait3A_85 = arith.constant 0 : i32
    %dma_wait3A_86 = tpu.memref_slice %arg6[%dma_wait3A_83, %dma_wait3A_84, %dma_wait3A_85] : memref<4x128x128xf32, #tpu.memory_space<vmem>> -> memref<1x128x128xf32, #tpu.memory_space<vmem>>
    %dma_wait3A_87 = tpu.memref_squeeze %dma_wait3A_86 : memref<1x128x128xf32, #tpu.memory_space<vmem>> -> memref<128x128xf32, #tpu.memory_space<vmem>>
    %dma_wait3A_88 = arith.constant 0 : i32
    %dma_wait3A_89 = tpu.memref_slice %arg5[%dma_wait3A_82, %dma_wait3A_88] : memref<4x128xi32, #tpu.memory_space<vmem>> -> memref<1x128xi32, #tpu.memory_space<vmem>>
    %dma_wait3A_90 = tpu.memref_squeeze %dma_wait3A_89 : memref<1x128xi32, #tpu.memory_space<vmem>> -> memref<128xi32, #tpu.memory_space<vmem>>
    %dma_wait3A_91 = arith.constant 0 : i32
    %dma_wait3A_92 = arith.constant 0 : i32
    %dma_wait3A_93 = tpu.memref_slice %arg7[%dma_wait3A_91, %dma_wait3A_92] : memref<1000x128xf32, #tpu.memory_space<vmem_shared>> -> memref<1000x128xf32, #tpu.memory_space<vmem_shared>>
    tpu.wait_indirect_dma semaphore(%arg8 : memref<!tpu.dma_semaphore, #tpu.memory_space<semaphore_mem>>) src(%dma_wait3A_93 : memref<1000x128xf32, #tpu.memory_space<vmem_shared>>) dst(%dma_wait3A_87 : memref<128x128xf32, #tpu.memory_space<vmem>>)
    %add3A_94 = arith.constant 128 : i32
    %add3A_95 = arith.addi %mul3A_2, %add3A_94 : i32
    %dma_start3A_96 = arith.constant 1 : i32
    %dma_start3A_97 = arith.constant 0 : i32
    %dma_start3A_98 = arith.constant 0 : i32
    %dma_start3A_99 = tpu.memref_slice %arg6[%dma_start3A_96, %dma_start3A_97, %dma_start3A_98] : memref<4x128x128xf32, #tpu.memory_space<vmem>> -> memref<1x128x128xf32, #tpu.memory_space<vmem>>
    %dma_start3A_100 = tpu.memref_squeeze %dma_start3A_99 : memref<1x128x128xf32, #tpu.memory_space<vmem>> -> memref<128x128xf32, #tpu.memory_space<vmem>>
    %dma_start3A_101 = arith.constant 0 : i32
    %dma_start3A_102 = tpu.memref_slice %arg4[%add3A_95, %dma_start3A_101] : memref<16384x128xf32, #tpu.memory_space<hbm>> -> memref<128x128xf32, #tpu.memory_space<hbm>>
    %dma_start3A_103 = arith.constant 0 : i32
    %dma_start3A_104 = tpu.memref_slice %arg4[%add3A_95, %dma_start3A_103] : memref<16384x128xf32, #tpu.memory_space<hbm>> -> memref<128x128xf32, #tpu.memory_space<hbm>>
    %dma_start3A_105 = arith.constant 0 : i32
    %dma_start3A_106 = arith.constant 0 : i32
    %dma_start3A_107 = tpu.memref_slice %arg6[%dma_start3A_96, %dma_start3A_105, %dma_start3A_106] : memref<4x128x128xf32, #tpu.memory_space<vmem>> -> memref<1x128x128xf32, #tpu.memory_space<vmem>>
    %dma_start3A_108 = tpu.memref_squeeze %dma_start3A_107 : memref<1x128x128xf32, #tpu.memory_space<vmem>> -> memref<128x128xf32, #tpu.memory_space<vmem>>
    tpu.enqueue_dma source(%dma_start3A_108 : memref<128x128xf32, #tpu.memory_space<vmem>>) target(%dma_start3A_104 : memref<128x128xf32, #tpu.memory_space<hbm>>) target_semaphore(%arg9 : memref<!tpu.dma_semaphore, #tpu.memory_space<semaphore_mem>>)
    %dma_wait3A_109 = arith.constant 2 : i32
    %dma_wait3A_110 = arith.constant 2 : i32
    %dma_wait3A_111 = arith.constant 0 : i32
    %dma_wait3A_112 = arith.constant 0 : i32
    %dma_wait3A_113 = tpu.memref_slice %arg6[%dma_wait3A_110, %dma_wait3A_111, %dma_wait3A_112] : memref<4x128x128xf32, #tpu.memory_space<vmem>> -> memref<1x128x128xf32, #tpu.memory_space<vmem>>
    %dma_wait3A_114 = tpu.memref_squeeze %dma_wait3A_113 : memref<1x128x128xf32, #tpu.memory_space<vmem>> -> memref<128x128xf32, #tpu.memory_space<vmem>>
    %dma_wait3A_115 = arith.constant 0 : i32
    %dma_wait3A_116 = tpu.memref_slice %arg5[%dma_wait3A_109, %dma_wait3A_115] : memref<4x128xi32, #tpu.memory_space<vmem>> -> memref<1x128xi32, #tpu.memory_space<vmem>>
    %dma_wait3A_117 = tpu.memref_squeeze %dma_wait3A_116 : memref<1x128xi32, #tpu.memory_space<vmem>> -> memref<128xi32, #tpu.memory_space<vmem>>
    %dma_wait3A_118 = arith.constant 0 : i32
    %dma_wait3A_119 = arith.constant 0 : i32
    %dma_wait3A_120 = tpu.memref_slice %arg7[%dma_wait3A_118, %dma_wait3A_119] : memref<1000x128xf32, #tpu.memory_space<vmem_shared>> -> memref<1000x128xf32, #tpu.memory_space<vmem_shared>>
    tpu.wait_indirect_dma semaphore(%arg8 : memref<!tpu.dma_semaphore, #tpu.memory_space<semaphore_mem>>) src(%dma_wait3A_120 : memref<1000x128xf32, #tpu.memory_space<vmem_shared>>) dst(%dma_wait3A_114 : memref<128x128xf32, #tpu.memory_space<vmem>>)
    %add3A_121 = arith.constant 256 : i32
    %add3A_122 = arith.addi %mul3A_2, %add3A_121 : i32
    %dma_start3A_123 = arith.constant 2 : i32
    %dma_start3A_124 = arith.constant 0 : i32
    %dma_start3A_125 = arith.constant 0 : i32
    %dma_start3A_126 = tpu.memref_slice %arg6[%dma_start3A_123, %dma_start3A_124, %dma_start3A_125] : memref<4x128x128xf32, #tpu.memory_space<vmem>> -> memref<1x128x128xf32, #tpu.memory_space<vmem>>
    %dma_start3A_127 = tpu.memref_squeeze %dma_start3A_126 : memref<1x128x128xf32, #tpu.memory_space<vmem>> -> memref<128x128xf32, #tpu.memory_space<vmem>>
    %dma_start3A_128 = arith.constant 0 : i32
    %dma_start3A_129 = tpu.memref_slice %arg4[%add3A_122, %dma_start3A_128] : memref<16384x128xf32, #tpu.memory_space<hbm>> -> memref<128x128xf32, #tpu.memory_space<hbm>>
    %dma_start3A_130 = arith.constant 0 : i32
    %dma_start3A_131 = tpu.memref_slice %arg4[%add3A_122, %dma_start3A_130] : memref<16384x128xf32, #tpu.memory_space<hbm>> -> memref<128x128xf32, #tpu.memory_space<hbm>>
    %dma_start3A_132 = arith.constant 0 : i32
    %dma_start3A_133 = arith.constant 0 : i32
    %dma_start3A_134 = tpu.memref_slice %arg6[%dma_start3A_123, %dma_start3A_132, %dma_start3A_133] : memref<4x128x128xf32, #tpu.memory_space<vmem>> -> memref<1x128x128xf32, #tpu.memory_space<vmem>>
    %dma_start3A_135 = tpu.memref_squeeze %dma_start3A_134 : memref<1x128x128xf32, #tpu.memory_space<vmem>> -> memref<128x128xf32, #tpu.memory_space<vmem>>
    tpu.enqueue_dma source(%dma_start3A_135 : memref<128x128xf32, #tpu.memory_space<vmem>>) target(%dma_start3A_131 : memref<128x128xf32, #tpu.memory_space<hbm>>) target_semaphore(%arg9 : memref<!tpu.dma_semaphore, #tpu.memory_space<semaphore_mem>>)
    %dma_wait3A_136 = arith.constant 3 : i32
    %dma_wait3A_137 = arith.constant 3 : i32
    %dma_wait3A_138 = arith.constant 0 : i32
    %dma_wait3A_139 = arith.constant 0 : i32
    %dma_wait3A_140 = tpu.memref_slice %arg6[%dma_wait3A_137, %dma_wait3A_138, %dma_wait3A_139] : memref<4x128x128xf32, #tpu.memory_space<vmem>> -> memref<1x128x128xf32, #tpu.memory_space<vmem>>
    %dma_wait3A_141 = tpu.memref_squeeze %dma_wait3A_140 : memref<1x128x128xf32, #tpu.memory_space<vmem>> -> memref<128x128xf32, #tpu.memory_space<vmem>>
    %dma_wait3A_142 = arith.constant 0 : i32
    %dma_wait3A_143 = tpu.memref_slice %arg5[%dma_wait3A_136, %dma_wait3A_142] : memref<4x128xi32, #tpu.memory_space<vmem>> -> memref<1x128xi32, #tpu.memory_space<vmem>>
    %dma_wait3A_144 = tpu.memref_squeeze %dma_wait3A_143 : memref<1x128xi32, #tpu.memory_space<vmem>> -> memref<128xi32, #tpu.memory_space<vmem>>
    %dma_wait3A_145 = arith.constant 0 : i32
    %dma_wait3A_146 = arith.constant 0 : i32
    %dma_wait3A_147 = tpu.memref_slice %arg7[%dma_wait3A_145, %dma_wait3A_146] : memref<1000x128xf32, #tpu.memory_space<vmem_shared>> -> memref<1000x128xf32, #tpu.memory_space<vmem_shared>>
    tpu.wait_indirect_dma semaphore(%arg8 : memref<!tpu.dma_semaphore, #tpu.memory_space<semaphore_mem>>) src(%dma_wait3A_147 : memref<1000x128xf32, #tpu.memory_space<vmem_shared>>) dst(%dma_wait3A_141 : memref<128x128xf32, #tpu.memory_space<vmem>>)
    %add3A_148 = arith.constant 384 : i32
    %add3A_149 = arith.addi %mul3A_2, %add3A_148 : i32
    %dma_start3A_150 = arith.constant 3 : i32
    %dma_start3A_151 = arith.constant 0 : i32
    %dma_start3A_152 = arith.constant 0 : i32
    %dma_start3A_153 = tpu.memref_slice %arg6[%dma_start3A_150, %dma_start3A_151, %dma_start3A_152] : memref<4x128x128xf32, #tpu.memory_space<vmem>> -> memref<1x128x128xf32, #tpu.memory_space<vmem>>
    %dma_start3A_154 = tpu.memref_squeeze %dma_start3A_153 : memref<1x128x128xf32, #tpu.memory_space<vmem>> -> memref<128x128xf32, #tpu.memory_space<vmem>>
    %dma_start3A_155 = arith.constant 0 : i32
    %dma_start3A_156 = tpu.memref_slice %arg4[%add3A_149, %dma_start3A_155] : memref<16384x128xf32, #tpu.memory_space<hbm>> -> memref<128x128xf32, #tpu.memory_space<hbm>>
    %dma_start3A_157 = arith.constant 0 : i32
    %dma_start3A_158 = tpu.memref_slice %arg4[%add3A_149, %dma_start3A_157] : memref<16384x128xf32, #tpu.memory_space<hbm>> -> memref<128x128xf32, #tpu.memory_space<hbm>>
    %dma_start3A_159 = arith.constant 0 : i32
    %dma_start3A_160 = arith.constant 0 : i32
    %dma_start3A_161 = tpu.memref_slice %arg6[%dma_start3A_150, %dma_start3A_159, %dma_start3A_160] : memref<4x128x128xf32, #tpu.memory_space<vmem>> -> memref<1x128x128xf32, #tpu.memory_space<vmem>>
    %dma_start3A_162 = tpu.memref_squeeze %dma_start3A_161 : memref<1x128x128xf32, #tpu.memory_space<vmem>> -> memref<128x128xf32, #tpu.memory_space<vmem>>
    tpu.enqueue_dma source(%dma_start3A_162 : memref<128x128xf32, #tpu.memory_space<vmem>>) target(%dma_start3A_158 : memref<128x128xf32, #tpu.memory_space<hbm>>) target_semaphore(%arg9 : memref<!tpu.dma_semaphore, #tpu.memory_space<semaphore_mem>>)
    %dma_wait3A_163 = arith.constant 0 : i32
    %dma_wait3A_164 = arith.constant 0 : i32
    %dma_wait3A_165 = arith.constant 0 : i32
    %dma_wait3A_166 = tpu.memref_slice %arg6[%dma_wait3A_163, %dma_wait3A_164, %dma_wait3A_165] : memref<4x128x128xf32, #tpu.memory_space<vmem>> -> memref<1x128x128xf32, #tpu.memory_space<vmem>>
    %dma_wait3A_167 = tpu.memref_squeeze %dma_wait3A_166 : memref<1x128x128xf32, #tpu.memory_space<vmem>> -> memref<128x128xf32, #tpu.memory_space<vmem>>
    %dma_wait3A_168 = arith.constant 0 : i32
    %dma_wait3A_169 = tpu.memref_slice %arg4[%add3A_68, %dma_wait3A_168] : memref<16384x128xf32, #tpu.memory_space<hbm>> -> memref<128x128xf32, #tpu.memory_space<hbm>>
    %dma_wait3A_170 = arith.constant 0 : i32
    %dma_wait3A_171 = tpu.memref_slice %arg4[%add3A_68, %dma_wait3A_170] : memref<16384x128xf32, #tpu.memory_space<hbm>> -> memref<128x128xf32, #tpu.memory_space<hbm>>
    %dma_wait3A_172 = arith.constant 0 : i32
    %dma_wait3A_173 = arith.constant 0 : i32
    %dma_wait3A_174 = tpu.memref_slice %arg6[%dma_wait3A_163, %dma_wait3A_172, %dma_wait3A_173] : memref<4x128x128xf32, #tpu.memory_space<vmem>> -> memref<1x128x128xf32, #tpu.memory_space<vmem>>
    %dma_wait3A_175 = tpu.memref_squeeze %dma_wait3A_174 : memref<1x128x128xf32, #tpu.memory_space<vmem>> -> memref<128x128xf32, #tpu.memory_space<vmem>>
    tpu.wait_dma2 semaphore(%arg9 : memref<!tpu.dma_semaphore, #tpu.memory_space<semaphore_mem>>) src(%dma_wait3A_175 : memref<128x128xf32, #tpu.memory_space<vmem>>) dst(%dma_wait3A_171 : memref<128x128xf32, #tpu.memory_space<hbm>>)
    %dma_wait3A_176 = arith.constant 1 : i32
    %dma_wait3A_177 = arith.constant 0 : i32
    %dma_wait3A_178 = arith.constant 0 : i32
    %dma_wait3A_179 = tpu.memref_slice %arg6[%dma_wait3A_176, %dma_wait3A_177, %dma_wait3A_178] : memref<4x128x128xf32, #tpu.memory_space<vmem>> -> memref<1x128x128xf32, #tpu.memory_space<vmem>>
    %dma_wait3A_180 = tpu.memref_squeeze %dma_wait3A_179 : memref<1x128x128xf32, #tpu.memory_space<vmem>> -> memref<128x128xf32, #tpu.memory_space<vmem>>
    %dma_wait3A_181 = arith.constant 0 : i32
    %dma_wait3A_182 = tpu.memref_slice %arg4[%add3A_95, %dma_wait3A_181] : memref<16384x128xf32, #tpu.memory_space<hbm>> -> memref<128x128xf32, #tpu.memory_space<hbm>>
    %dma_wait3A_183 = arith.constant 0 : i32
    %dma_wait3A_184 = tpu.memref_slice %arg4[%add3A_95, %dma_wait3A_183] : memref<16384x128xf32, #tpu.memory_space<hbm>> -> memref<128x128xf32, #tpu.memory_space<hbm>>
    %dma_wait3A_185 = arith.constant 0 : i32
    %dma_wait3A_186 = arith.constant 0 : i32
    %dma_wait3A_187 = tpu.memref_slice %arg6[%dma_wait3A_176, %dma_wait3A_185, %dma_wait3A_186] : memref<4x128x128xf32, #tpu.memory_space<vmem>> -> memref<1x128x128xf32, #tpu.memory_space<vmem>>
    %dma_wait3A_188 = tpu.memref_squeeze %dma_wait3A_187 : memref<1x128x128xf32, #tpu.memory_space<vmem>> -> memref<128x128xf32, #tpu.memory_space<vmem>>
    tpu.wait_dma2 semaphore(%arg9 : memref<!tpu.dma_semaphore, #tpu.memory_space<semaphore_mem>>) src(%dma_wait3A_188 : memref<128x128xf32, #tpu.memory_space<vmem>>) dst(%dma_wait3A_184 : memref<128x128xf32, #tpu.memory_space<hbm>>)
    %dma_wait3A_189 = arith.constant 2 : i32
    %dma_wait3A_190 = arith.constant 0 : i32
    %dma_wait3A_191 = arith.constant 0 : i32
    %dma_wait3A_192 = tpu.memref_slice %arg6[%dma_wait3A_189, %dma_wait3A_190, %dma_wait3A_191] : memref<4x128x128xf32, #tpu.memory_space<vmem>> -> memref<1x128x128xf32, #tpu.memory_space<vmem>>
    %dma_wait3A_193 = tpu.memref_squeeze %dma_wait3A_192 : memref<1x128x128xf32, #tpu.memory_space<vmem>> -> memref<128x128xf32, #tpu.memory_space<vmem>>
    %dma_wait3A_194 = arith.constant 0 : i32
    %dma_wait3A_195 = tpu.memref_slice %arg4[%add3A_122, %dma_wait3A_194] : memref<16384x128xf32, #tpu.memory_space<hbm>> -> memref<128x128xf32, #tpu.memory_space<hbm>>
    %dma_wait3A_196 = arith.constant 0 : i32
    %dma_wait3A_197 = tpu.memref_slice %arg4[%add3A_122, %dma_wait3A_196] : memref<16384x128xf32, #tpu.memory_space<hbm>> -> memref<128x128xf32, #tpu.memory_space<hbm>>
    %dma_wait3A_198 = arith.constant 0 : i32
    %dma_wait3A_199 = arith.constant 0 : i32
    %dma_wait3A_200 = tpu.memref_slice %arg6[%dma_wait3A_189, %dma_wait3A_198, %dma_wait3A_199] : memref<4x128x128xf32, #tpu.memory_space<vmem>> -> memref<1x128x128xf32, #tpu.memory_space<vmem>>
    %dma_wait3A_201 = tpu.memref_squeeze %dma_wait3A_200 : memref<1x128x128xf32, #tpu.memory_space<vmem>> -> memref<128x128xf32, #tpu.memory_space<vmem>>
    tpu.wait_dma2 semaphore(%arg9 : memref<!tpu.dma_semaphore, #tpu.memory_space<semaphore_mem>>) src(%dma_wait3A_201 : memref<128x128xf32, #tpu.memory_space<vmem>>) dst(%dma_wait3A_197 : memref<128x128xf32, #tpu.memory_space<hbm>>)
    %dma_wait3A_202 = arith.constant 3 : i32
    %dma_wait3A_203 = arith.constant 0 : i32
    %dma_wait3A_204 = arith.constant 0 : i32
    %dma_wait3A_205 = tpu.memref_slice %arg6[%dma_wait3A_202, %dma_wait3A_203, %dma_wait3A_204] : memref<4x128x128xf32, #tpu.memory_space<vmem>> -> memref<1x128x128xf32, #tpu.memory_space<vmem>>
    %dma_wait3A_206 = tpu.memref_squeeze %dma_wait3A_205 : memref<1x128x128xf32, #tpu.memory_space<vmem>> -> memref<128x128xf32, #tpu.memory_space<vmem>>
    %dma_wait3A_207 = arith.constant 0 : i32
    %dma_wait3A_208 = tpu.memref_slice %arg4[%add3A_149, %dma_wait3A_207] : memref<16384x128xf32, #tpu.memory_space<hbm>> -> memref<128x128xf32, #tpu.memory_space<hbm>>
    %dma_wait3A_209 = arith.constant 0 : i32
    %dma_wait3A_210 = tpu.memref_slice %arg4[%add3A_149, %dma_wait3A_209] : memref<16384x128xf32, #tpu.memory_space<hbm>> -> memref<128x128xf32, #tpu.memory_space<hbm>>
    %dma_wait3A_211 = arith.constant 0 : i32
    %dma_wait3A_212 = arith.constant 0 : i32
    %dma_wait3A_213 = tpu.memref_slice %arg6[%dma_wait3A_202, %dma_wait3A_211, %dma_wait3A_212] : memref<4x128x128xf32, #tpu.memory_space<vmem>> -> memref<1x128x128xf32, #tpu.memory_space<vmem>>
    %dma_wait3A_214 = tpu.memref_squeeze %dma_wait3A_213 : memref<1x128x128xf32, #tpu.memory_space<vmem>> -> memref<128x128xf32, #tpu.memory_space<vmem>>
    tpu.wait_dma2 semaphore(%arg9 : memref<!tpu.dma_semaphore, #tpu.memory_space<semaphore_mem>>) src(%dma_wait3A_214 : memref<128x128xf32, #tpu.memory_space<vmem>>) dst(%dma_wait3A_210 : memref<128x128xf32, #tpu.memory_space<hbm>>)
    return
  }
}

</mosaic_0001>

<sc_bundles>
// kernel: kernel.3.cloned.1.call-start
scs
__scs_entry_jumppad:
0x0: {  	(pc) =	sbr.rel $0x88, $3  }
0x1: {  	(tag) =	ssettag $0x0;
	lr =	simm.s32 $0x1  }
0x2: {  	[smem:$0x3F9F] =	sst lr;
	_ =	strace $0xD0000000  }
0x3: {  	_ = 	snop  }
0x4: {  	_ = 	snop  }
0x5: {  	_ = 	snop  }
0x6: {  	_ = 	snop  }
0x7: {  	_ = 	snop  }
__scs_overlays_trampoline_lowered:
0x8: {  	[smem:$0x3FAE] =	sst s0  }
0x9: {  	[smem:$0x3FAF] =	sst s1  }
0xa: {  	[smem:$0x3FB0] =	sst s2  }
0xb: {  	[smem:$0x3FB1] =	sst s3  }
0xc: {  	[smem:$0x3FB2] =	sst s4  }
0xd: {  	[smem:$0x3FB3] =	sst s5  }
0xe: {  	[smem:$0x3FB4] =	sst s6  }
0xf: {  	[smem:$0x3FB5] =	sst s7  }
0x10: {  	[smem:$0x3FB6] =	sst s8  }
0x11: {  	[smem:$0x3FB7] =	sst s9;
	s0 =	simm.s32 @!p0 $0x0  }
0x12: {  	s1 =	sld [smem:$0x3F9D];
	s0 =	simm.s32 @p0 $0x1  }
0x13: {  	[smem:$0x3FB8] =	sst s0;
	s0 =	simm.s32 @!p1 $0x0  }
0x14: {  	s2 =	sld [smem:$0x3F9C];
	s0 =	simm.s32 @p1 $0x1  }
0x15: {  	[smem:$0x3FB9] =	sst s0;
	s0 =	simm.s32 @!p2 $0x0  }
0x16: {  	s3 =	sld [smem:$0x3FDB];
	s0 =	simm.s32 @p2 $0x1  }
0x17: {  	s4 =	simm.s32 $0x1BF5;
	[smem:$0x3FBB] =	sst s0  }
0x18: {  	s0 =	sld [smem:$0x3F9E];
	_ =	swait.ge [sflag:s4], $0x0  }
0x19: {  	s7 =	sld [smem:$0x3F9F]  }
0x1a: {  	s8 =	sadd.s32 $0xFFFFE003, lr  }
0x1b: {  	s9 =	sadd.s32 $0xFFFFFEF7, lr;
	s5 =	simm.s32 $0xFFFFFFFF;
	p2 =	slt.u32 s8, $0xFFFFF086  }
0x1c: {  	p1 =	slt.u32 s9, $0xF7A;
	s5 =	simm.s32 @!p2 $0x0  }
0x1d: {  	s5 =	simm.s32 @p1 $0x1;
	p0 =	seq.s32 s7, s2  }
0x1e: {  	s7 =	smul.u32 @!p0 $0xF7A, s2;
	p2 =	seq.s32 @!p0 s5, $0x0  }
0x1f: {  	s9 =	smul.u32 $0xF7A, s1;
	s8 =	simm.s32 @!p0 $0x1BF5;
	p2 =	por !p2, p0  }
0x20: {  	[sflag:s8] =	ssyncset.s32 @!p0 $0xFFFFF086;
	s6 =	sadd.s32 @!p0 s3, s7;
	s7 =	simm.s32 @!p0 $0x108  }
0x21: {  	s3 =	sadd.s32 s3, s9;
	s6 =	sadd.s32 @!p0 $0x88, s6;
	s7 =	simm.s32 @p2 $0x1082  }
0x22: {  	[simem:s7], [sflag:s8] =	dma.local @!p0 [hbm:s6], $0xF7A  }
0x23: {  	s9 =	sor.u32 $0xD0000000, s2;
	s6 =	simm.s32 $0x108;
	_ =	swait.ge @!p0 [sflag:s8], $0x0  }
0x24: {  	s3 =	sadd.s32 $0x88, s3;
	s6 =	simm.s32 @!p1 $0x1082;
	[sflag:s4] =	ssyncset.s32 $0xFFFFF086  }
0x25: {  	[simem:s6], [sflag:s4] =	dma.local [hbm:s3], $0xF7A  }
0x26: {  	[smem:$0x3F9F] =	sst s1;
	(tag) =	ssettag s2;
	_ =	strace s9  }
0x27: {  	s1 =	sld [smem:$0x3FAF]  }
0x28: {  	s2 =	sld [smem:$0x3FB0]  }
0x29: {  	s4 =	sld [smem:$0x3FB2]  }
0x2a: {  	p0 =	seq.s32 s5, $0x0;
	s5 =	sld [smem:$0x3FB3]  }
0x2b: {  	s6 =	sld [smem:$0x3FB4]  }
0x2c: {  	s7 =	sld [smem:$0x3FB5]  }
0x2d: {  	s3 =	simm.s32 $0x108;
	s8 =	sld [smem:$0x3FB6]  }
0x2e: {  	s3 =	simm.s32 @!p0 $0x1082;
	s9 =	sld [smem:$0x3FB7]  }
0x2f: {  	lr =	sadd.s32 s0, s3;
	s0 =	sld [smem:$0x3FAE]  }
0x30: {  	s3 =	sld [smem:$0x3FB1]  }
0x31: {  	[smem:$0x3FBA] =	sst s10  }
0x32: {  	s10 =	sld [smem:$0x3FB8];
	_ =	sdelay $0x3  }
0x33: {  	p0 =	seq.s32 s10, $0x1;
	s10 =	sld [smem:$0x3FBA];
	_ =	sdelay $0x3  }
0x34: {  	[smem:$0x3FBA] =	sst s10  }
0x35: {  	s10 =	sld [smem:$0x3FB9];
	_ =	sdelay $0x3  }
0x36: {  	p1 =	seq.s32 s10, $0x1;
	s10 =	sld [smem:$0x3FBA];
	_ =	sdelay $0x3  }
0x37: {  	[smem:$0x3FBA] =	sst s10  }
0x38: {  	s10 =	sld [smem:$0x3FBB]  }
0x39: {  	_ = 	snop;
	(pc) =	sbr.ind lr, $3  }
0x3a: {  	_ = 	snop  }
0x3b: {  	_ = 	snop  }
0x3c: {  	p2 =	seq.s32 s10, $0x1;
	s10 =	sld [smem:$0x3FBA]  }
0x3d: {  	_ =	shalt  }
0x3e: {  	_ =	shalt  }
0x3f: {  	_ =	shalt  }
0x40: {  	_ =	shalt  }
0x41: {  	_ =	shalt  }
0x42: {  	_ =	shalt  }
0x43: {  	_ =	shalt  }
0x44: {  	_ =	shalt  }
0x45: {  	_ =	shalt  }
0x46: {  	_ =	shalt  }
0x47: {  	_ =	shalt  }
0x48: {  	_ =	shalt  }
0x49: {  	_ =	shalt  }
0x4a: {  	_ =	shalt  }
0x4b: {  	_ =	shalt  }
0x4c: {  	_ =	shalt  }
0x4d: {  	_ =	shalt  }
0x4e: {  	_ =	shalt  }
0x4f: {  	_ =	shalt  }
0x50: {  	_ =	shalt  }
0x51: {  	_ =	shalt  }
0x52: {  	_ =	shalt  }
0x53: {  	_ =	shalt  }
0x54: {  	_ =	shalt  }
0x55: {  	_ =	shalt  }
0x56: {  	_ =	shalt  }
0x57: {  	_ =	shalt  }
0x58: {  	_ =	shalt  }
0x59: {  	_ =	shalt  }
0x5a: {  	_ =	shalt  }
0x5b: {  	_ =	shalt  }
0x5c: {  	_ =	shalt  }
0x5d: {  	_ =	shalt  }
0x5e: {  	_ =	shalt  }
0x5f: {  	_ =	shalt  }
0x60: {  	_ =	shalt  }
0x61: {  	_ =	shalt  }
0x62: {  	_ =	shalt  }
0x63: {  	_ =	shalt  }
0x64: {  	_ =	shalt  }
0x65: {  	_ =	shalt  }
0x66: {  	_ =	shalt  }
0x67: {  	_ =	shalt  }
0x68: {  	_ =	shalt  }
0x69: {  	_ =	shalt  }
0x6a: {  	_ =	shalt  }
0x6b: {  	_ =	shalt  }
0x6c: {  	_ =	shalt  }
0x6d: {  	_ =	shalt  }
0x6e: {  	_ =	shalt  }
0x6f: {  	_ =	shalt  }
0x70: {  	_ =	shalt  }
0x71: {  	_ =	shalt  }
0x72: {  	_ =	shalt  }
0x73: {  	_ =	shalt  }
0x74: {  	_ =	shalt  }
0x75: {  	_ =	shalt  }
0x76: {  	_ =	shalt  }
0x77: {  	_ =	shalt  }
0x78: {  	_ =	shalt  }
0x79: {  	_ =	shalt  }
0x7a: {  	_ =	shalt  }
0x7b: {  	_ =	shalt  }
0x7c: {  	_ =	shalt  }
0x7d: {  	_ =	shalt  }
0x7e: {  	_ =	shalt  }
0x7f: {  	_ =	shalt  }
0x80: {  	_ =	shalt  }
0x81: {  	_ =	shalt  }
0x82: {  	_ =	shalt  }
0x83: {  	_ =	shalt  }
0x84: {  	_ =	shalt  }
0x85: {  	_ =	shalt  }
0x86: {  	_ =	shalt  }
0x87: {  	_ =	shalt  }
.Lfunc_end0:
.L_simem_size_0:
called_computation_lowered:
.L_overlay_start_0:
0x88: {  	s2 =	sld [smem:$0x3FD9]  }
0x89: {  	s3 =	sld [smem:$0x3FFE];
	_ =	sdelay $0x1  }
0x8a: {  	s1 =	srdreg.scid  }
0x8b: {  	s0 =	sand.u32 $0x1, s1  }
0x8c: {  	s18 =	sshll.u32 s0, $0xA;
	s2 =	sadd.s32 s3, s2  }
0x8d: {  	s2 =	sadd.s32 s2, s18  }
0x8e: {  	[smem:$0x3FC6] =	sst s2  }
0x8f: {  	_ = 	snop  }
0x90: {  	s2 =	sld [smem:$0x3FC9]  }
0x91: {  	s19 =	sld [smem:$0x3FC8]  }
0x92: {  	s4 =	sld [smem:$0x3FD0];
	(tm) =	ssettm $0x1  }
0x93: {  	s5 =	sld [smem:$0x3FFB];
	_ =	sdelay $0x3  }
0x94: {  	_ =	strace s5  }
0x95: {  	s5 =	sld [smem:$0x3FFC];
	_ =	sdelay $0x3  }
0x96: {  	_ =	strace s5  }
0x97: {  	s5 =	sld [smem:$0x3FFD];
	_ =	sdelay $0x3  }
0x98: {  	_ =	strace s5  }
0x99: {  	_ =	strace $0x8FFFFFFF  }
0x9a: {  	s20 =	sld [smem:$0x3FDB];
	_ =	sdelay $0x1  }
0x9b: {  	s6 =	simm.s32 $_scs_section_size  }
0x9c: {  	s7 =	simm.s32 $_size__tile_overlayer_lowered;
	s8 =	simm.s32 $_tile_overlayer_lowered  }
0x9d: {  	s23 =	simm.s32 $0x1BFF;
	s22 =	sshll.u32 s8, $0x1;
	s5 =	sadd.s32 s6, s20  }
0x9e: {  	s9 =	simm.s32 $0x0;
	s21 =	sshll.u32 s7, $0x1;
	s7 =	sadd.s32 s22, s5  }
0x9f: {  	[timem:s9], [sflag:s23] =	dma.local [hbm:s7], s21  }
0xa0: {  	_ =	swait.ge [sflag:s23], s21  }
0xa1: {  	s6 =	ssub.s32 $0x0, s21;
	[sflag:s23] =	ssyncset.done $0x0  }
0xa2: {  	[sflag:s23] =	ssyncadd.s32 s6;
	_ =	sdelay $0x1  }
0xa3: {  	s24 =	simm.s32 $0x1B8B  }
0xa4: {  	_ =	swait.ge [sflag:s24], $0x1  }
0xa5: {  	[sflag:s24] =	ssyncset.done $0x0  }
0xa6: {  	s25 =	simm.s32 $0x1B8E;
	[sflag:s24] =	ssyncadd.s32 $0xFFFFFFFF  }
0xa7: {  	s26 =	simm.s32 $execute0_lowered;
	[smem:$0x3FD2] =	sst s25  }
0xa8: {  	s6 =	sshll.u32 s26, $0x1;
	_ =	strace $0x80000046;
	[dreg:$0x1] =	wrdreg $0xFFFFFFFF  }
0xa9: {  	s28 =	simm.s32 $_size_execute0_lowered;
	s5 =	sadd.s32 s5, s6;
	[dreg:$0x0] =	wrdreg $0x0  }
0xaa: {  	s6 =	sshll.u32 s28, $0x1;
	[dreg:$0x2] =	wrdreg s5  }
0xab: {  	[dreg:$0x3] =	wrdreg s6  }
0xac: {  	[dreg:$0x4] =	wrdreg $0xC0  }
0xad: {  	_ =	task [dreg:s9], $0x5FFFF  }
0xae: {  	[dreg:$0x1] =	wrdreg $0xFFFFFFFF  }
0xaf: {  	[dreg:$0x0] =	wrdreg $0x60  }
0xb0: {  	[dreg:$0x2] =	wrdreg s2  }
0xb1: {  	[dreg:$0x3] =	wrdreg s19  }
0xb2: {  	[dreg:$0x4] =	wrdreg s4  }
0xb3: {  	[dreg:$0x5] =	wrdreg $0x102000  }
0xb4: {  	[dreg:$0x6] =	wrdreg $0x9  }
0xb5: {  	_ =	task.clear_ibuf [dreg:s9], $0x7FFFF;
	_ =	strace $0x90000046  }
0xb6: {  	s29 =	simm.s32 $0x9;
	_ =	strace $0x80000048  }
0xb7: {  	_ =	swait.ge [sflag:s29], $0x1  }
0xb8: {  	[sflag:s29] =	ssyncadd.s32 $0xFFFFFFFF  }
0xb9: {  	_ =	strace $0x90000048  }
0xba: {  	_ =	sfence  }
0xbb: {  	s30 =	sld [smem:$0x0];
	_ =	sdelay $0x2  }
0xbc: {  	s31 =	sshll.u32 s1, $0xD;
	s1 =	sshrl.u32 s1, $0x2  }
0xbd: {  	s3 =	sand.u32 $0x4000, s31;
	s1 =	sadd.s32 s1, s30  }
0xbe: {  	s0 =	sor.u32 s3, s0;
	s1 =	sshll.u32 s1, $0x11  }
0xbf: {  	s0 =	sor.u32 s1, s0  }
0xc0: {  	s0 =	sadd.s32 $0x8F2B, s0  }
0xc1: {  	[sflag:s0] =	ssyncadd.remote.s32 $0x1  }
0xc2: {  	_ =	sfence.sel $0xFFFF  }
0xc3: {  	[dreg:$0x0] =	wrdreg $0xFFFFFFFF;
	(pc) =	sbr.abs _section_cstart, $3  }
0xc4: {  	[dreg:$0x1] =	wrdreg $0xFFFFFFFF  }
0xc5: {  	_ =	task.clear_ibuf [dreg:s9], $0x2FFFF;
	_ =	strace $0x9FFFFFFF  }
0xc6: {  	(tm) =	ssettm $0x7FFFFFFF  }
0xc7: {  	_ =	shalt  }
tec
execute0_lowered:
.L_overlay_start_1:
0x0: {  	(tag) =	ssettag $0x1  }
0x1: {  	s4 =	rddreg [dreg:$0x0]  }
0x2: {  	s5 =	rddreg [dreg:$0x1]  }
0x3: {  	s6 =	rddreg [dreg:$0x2]  }
0x4: {  	s3 =	rddreg [dreg:$0x3]  }
0x5: {  	s0 =	rddreg [dreg:$0x4];
	s2 =	simm.s32 $0x0;
	s1 =	srdreg.scid  }
0x6: {  	s17 =	simm.s32 $0x3;
	s16 =	simm.s32 $0x80;
	s15 =	simm.s32 $0x200  }
0x7: {  	s18 =	simm.s32 $0x100;
	s20 =	simm.s32 $0x180;
	s12 =	simm.s32 $0x1  }
0x8: {  	p1 =	por $0x0, $0x0;
	[smem:$0x7FF] =	sst s2;
	s7 =	sand.u32 $0x1, s1  }
0x9: {  	s1 =	stileid.u32;
	s19 =	sadd.s32 $0x3C00, s5;
	s8 =	ssub.s32 $0x2, s7  }
0xa: {  	_ =	strace $0x80000047;
	s10 =	sshll.u32 s1, $0xA;
	s9 =	sshrl.u32 s8, $0x1  }
0xb: {  	s7 =	sshll.u32 s7, $0x9;
	s29 =	sshll.u32 s1, $0xD;
	s9 =	ssub.s32 s8, s9  }
0xc: {  	p0 =	seq.s32 s1, $0xF;
	s7 =	sor.u32 s7, s10;
	s31 =	smax.u32 s9, $0x1  }
0xd: {  	s11 =	sadd.s32 s29, s3;
	s13 =	sadd.s32 s5, s10;
	s28 =	sadd.s32 $0xFFFFFFFF, s31  }
0xe: {  	s10 =	sadd.s32 $0x1E000, s3;
	s30 =	sshll.u32 s7, $0x4;
	p2 =	sne.s32 s28, $0x0  }
.Ltmp0:
0xf: {  	s7 =	sshrl.u32 s7, $0x3;
	s23 =	sshrl.u32 @p0 s10, $0x3;
	(pc) =	sbr.rel @!p2 .LBB2_3-.Ltmp0, $4  }
0x10: {  	s22 =	sshrl.u32 @!p0 s11, $0x3;
	s11 =	simm.s32 $0x4200;
	s10 =	simm.s32 $0x8200  }
0x11: {  	s8 =	sadd.s32 s6, s30;
	s14 =	sadd.s32 s4, s7;
	s9 =	sshll.u32 @!p0 s1, $0x6  }
0x12: {  	s7 =	simm.s32 $0x2;
	s6 =	sadd.s32 $0x800, s8;
	s5 =	sadd.s32 $0x1000, s8  }
0x13: {  	s4 =	sadd.s32 $0x1800, s8;
	s21 =	sor.u32 @!p0 $0x1C03, s9;
	s9 =	simm.s32 $0xC200  }
0x14: {  	s24 =	simm.s32 @p0 $0x1FC3;
	s25 =	simm.s32 @p0 $0x3  }
0x15: {  	[spmem:s23], [sflag:s24] =	dma.local @p0 [hbm:s19], $0x280  }
0x16: {  	_ =	swait.ge @p0 [sflag:s25], $0x280  }
0x17: {  	[sflag:s25] =	ssyncset.done @p0 $0x0  }
0x18: {  	s26 =	simm.s32 @!p0 $0x3;
	[sflag:s25] =	ssyncadd.s32 @p0 $0xFFFFFD80  }
0x19: {  	[spmem:s22], [sflag:s21] =	dma.local @!p0 [hbm:s13], $0x400  }
0x1a: {  	_ =	swait.ge @!p0 [sflag:s26], $0x400  }
0x1b: {  	[sflag:s26] =	ssyncset.done @!p0 $0x0  }
0x1c: {  	[sflag:s26] =	ssyncadd.s32 @!p0 $0xFFFFFC00  }
0x1d: {  	[tilespmem:s2], [sflag:$0x3] =	stream.linear.gather [hbm4b:s14+s2], $0x200, $0x38;
	[tilespmem:$0x12140] =	vst v63  }
0x1e: {  	_ =	swait.ge [sflag:s17], $0x200  }
0x1f: {  	[sflag:s17] =	ssyncset.done $0x0  }
0x20: {  	[sflag:s17] =	ssyncadd.s32 $0xFFFFFE00  }
0x21: {  	[bflag:$0x0] =	sbarrier.arrive $0xFFFF  }
0x22: {  	[tilespmem:s15], [sflag:$0x1] =	stream.indirect.gather [spmem:s3], $0x80, s2, s16, $0xb8;
	[tilespmem:$0x12140] =	vst v63  }
0x23: {  	_ = 	snop  }
0x24: {  	[tilespmem:s11], [sflag:$0x1] =	stream.indirect.gather [spmem:s3], $0x80, s16, s16, $0xb8;
	[tilespmem:$0x12140] =	vst v63  }
0x25: {  	_ = 	snop  }
0x26: {  	[tilespmem:s10], [sflag:$0x1] =	stream.indirect.gather [spmem:s3], $0x80, s18, s16, $0xb8;
	[tilespmem:$0x12140] =	vst v63  }
0x27: {  	_ = 	snop  }
0x28: {  	[tilespmem:s9], [sflag:$0x1] =	stream.indirect.gather [spmem:s3], $0x80, s20, s16, $0xb8;
	[tilespmem:$0x12140] =	vst v63  }
0x29: {  	_ =	swait.ge [sflag:s12], $0x4000  }
0x2a: {  	[sflag:s12] =	ssyncset.done $0x0  }
0x2b: {  	[sflag:s12] =	ssyncadd.s32 $0xFFFFC000  }
0x2c: {  	[hbm4b:s8+s2] =	stream.linear.scatter [tilespmem:s15], [sflag:$0x2], $0x4000, $0x38;
	[tilespmem:$0x12140] =	vst v63  }
0x2d: {  	_ =	swait.ge [sflag:s12], $0x4000  }
0x2e: {  	[sflag:s12] =	ssyncset.done $0x0  }
0x2f: {  	[sflag:s12] =	ssyncadd.s32 $0xFFFFC000  }
0x30: {  	[hbm4b:s6+s2] =	stream.linear.scatter [tilespmem:s11], [sflag:$0x2], $0x4000, $0x38;
	[tilespmem:$0x12140] =	vst v63  }
0x31: {  	_ =	swait.ge [sflag:s12], $0x4000  }
0x32: {  	[sflag:s12] =	ssyncset.done $0x0  }
0x33: {  	[sflag:s12] =	ssyncadd.s32 $0xFFFFC000  }
0x34: {  	[hbm4b:s5+s2] =	stream.linear.scatter [tilespmem:s10], [sflag:$0x2], $0x4000, $0x38;
	[tilespmem:$0x12140] =	vst v63  }
0x35: {  	_ =	swait.ge [sflag:s12], $0x4000  }
0x36: {  	[sflag:s12] =	ssyncset.done $0x0  }
0x37: {  	[sflag:s12] =	ssyncadd.s32 $0xFFFFC000  }
0x38: {  	[hbm4b:s4+s2] =	stream.linear.scatter [tilespmem:s9], [sflag:$0x2], $0x4000, $0x38;
	[tilespmem:$0x12140] =	vst v63  }
0x39: {  	_ =	swait.ge [sflag:s7], $0x4000  }
0x3a: {  	[sflag:s7] =	ssyncset.done $0x0  }
0x3b: {  	[sflag:s7] =	ssyncadd.s32 $0xFFFFC000  }
0x3c: {  	_ =	swait.ge [sflag:s7], $0x4000  }
0x3d: {  	s28 =	sadd.s32 $0xFFFFFFFF, s28;
	[sflag:s7] =	ssyncset.done $0x0  }
0x3e: {  	p2 =	sne.s32 s28, $0x0;
	[sflag:s7] =	ssyncadd.s32 $0xFFFFC000  }
.Ltmp1:
0x3f: {  	_ =	swait.ge [sflag:s7], $0x4000;
	(pc) =	sbr.rel @!p2 .LBB2_3-.Ltmp1, $4  }
0x40: {  	[sflag:s7] =	ssyncset.done $0x0  }
0x41: {  	[sflag:s7] =	ssyncadd.s32 $0xFFFFC000  }
0x42: {  	_ =	swait.ge [sflag:s7], $0x4000  }
0x43: {  	p1 =	por $0x1, $0x1;
	[sflag:s7] =	ssyncset.done $0x0  }
.LBB2_2:
0x44: {  	[sflag:s7] =	ssyncadd.s32 $0xFFFFC000  }
0x45: {  	[spmem:s23], [sflag:s24] =	dma.local @p0 [hbm:s19], $0x280  }
0x46: {  	s28 =	sadd.s32 $0xFFFFFFFF, s28;
	_ =	swait.ge @p0 [sflag:s25], $0x280  }
0x47: {  	p2 =	sne.s32 s28, $0x0;
	[sflag:s25] =	ssyncset.done @p0 $0x0  }
0x48: {  	[sflag:s25] =	ssyncadd.s32 @p0 $0xFFFFFD80  }
0x49: {  	[spmem:s22], [sflag:s21] =	dma.local @!p0 [hbm:s13], $0x400  }
0x4a: {  	_ =	swait.ge @!p0 [sflag:s26], $0x400  }
0x4b: {  	[sflag:s26] =	ssyncset.done @!p0 $0x0  }
0x4c: {  	[sflag:s26] =	ssyncadd.s32 @!p0 $0xFFFFFC00  }
0x4d: {  	[tilespmem:s2], [sflag:$0x3] =	stream.linear.gather [hbm4b:s14+s2], $0x200, $0x38;
	[tilespmem:$0x12140] =	vst v63  }
0x4e: {  	_ =	swait.ge [sflag:s17], $0x200  }
0x4f: {  	[sflag:s17] =	ssyncset.done $0x0  }
0x50: {  	[sflag:s17] =	ssyncadd.s32 $0xFFFFFE00  }
0x51: {  	[bflag:$0x0] =	sbarrier.arrive $0xFFFF  }
0x52: {  	[tilespmem:s15], [sflag:$0x1] =	stream.indirect.gather [spmem:s3], $0x80, s2, s16, $0xb8;
	[tilespmem:$0x12140] =	vst v63  }
0x53: {  	_ = 	snop  }
0x54: {  	[tilespmem:s11], [sflag:$0x1] =	stream.indirect.gather [spmem:s3], $0x80, s16, s16, $0xb8;
	[tilespmem:$0x12140] =	vst v63  }
0x55: {  	_ = 	snop  }
0x56: {  	[tilespmem:s10], [sflag:$0x1] =	stream.indirect.gather [spmem:s3], $0x80, s18, s16, $0xb8;
	[tilespmem:$0x12140] =	vst v63  }
0x57: {  	_ = 	snop  }
0x58: {  	[tilespmem:s9], [sflag:$0x1] =	stream.indirect.gather [spmem:s3], $0x80, s20, s16, $0xb8;
	[tilespmem:$0x12140] =	vst v63  }
0x59: {  	_ =	swait.ge [sflag:s12], $0x4000  }
0x5a: {  	[sflag:s12] =	ssyncset.done $0x0  }
0x5b: {  	[sflag:s12] =	ssyncadd.s32 $0xFFFFC000  }
0x5c: {  	[hbm4b:s8+s2] =	stream.linear.scatter [tilespmem:s15], [sflag:$0x2], $0x4000, $0x38;
	[tilespmem:$0x12140] =	vst v63  }
0x5d: {  	_ =	swait.ge [sflag:s12], $0x4000  }
0x5e: {  	[sflag:s12] =	ssyncset.done $0x0  }
0x5f: {  	[sflag:s12] =	ssyncadd.s32 $0xFFFFC000  }
0x60: {  	[hbm4b:s6+s2] =	stream.linear.scatter [tilespmem:s11], [sflag:$0x2], $0x4000, $0x38;
	[tilespmem:$0x12140] =	vst v63  }
0x61: {  	_ =	swait.ge [sflag:s12], $0x4000  }
0x62: {  	[sflag:s12] =	ssyncset.done $0x0  }
0x63: {  	[sflag:s12] =	ssyncadd.s32 $0xFFFFC000  }
0x64: {  	[hbm4b:s5+s2] =	stream.linear.scatter [tilespmem:s10], [sflag:$0x2], $0x4000, $0x38;
	[tilespmem:$0x12140] =	vst v63  }
0x65: {  	_ =	swait.ge [sflag:s12], $0x4000  }
0x66: {  	[sflag:s12] =	ssyncset.done $0x0  }
0x67: {  	[sflag:s12] =	ssyncadd.s32 $0xFFFFC000  }
0x68: {  	[hbm4b:s4+s2] =	stream.linear.scatter [tilespmem:s9], [sflag:$0x2], $0x4000, $0x38;
	[tilespmem:$0x12140] =	vst v63  }
0x69: {  	_ =	swait.ge [sflag:s7], $0x4000  }
0x6a: {  	[sflag:s7] =	ssyncset.done $0x0  }
0x6b: {  	[sflag:s7] =	ssyncadd.s32 $0xFFFFC000  }
0x6c: {  	_ =	swait.ge [sflag:s7], $0x4000  }
0x6d: {  	[sflag:s7] =	ssyncset.done $0x0  }
0x6e: {  	[sflag:s7] =	ssyncadd.s32 $0xFFFFC000  }
.Ltmp2:
0x6f: {  	_ =	swait.ge [sflag:s7], $0x4000;
	(pc) =	sbr.rel @p2 .LBB2_2-.Ltmp2, $4  }
0x70: {  	[sflag:s7] =	ssyncset.done $0x0  }
0x71: {  	[sflag:s7] =	ssyncadd.s32 $0xFFFFC000  }
0x72: {  	_ =	swait.ge [sflag:s7], $0x4000  }
0x73: {  	[sflag:s7] =	ssyncset.done $0x0  }
.LBB2_3:
0x74: {  	s24 =	simm.s32 @p0 $0x1FC3;
	s25 =	simm.s32 @p0 $0x3;
	[sflag:s7] =	ssyncadd.s32 @p1 $0xFFFFC000  }
0x75: {  	[spmem:s23], [sflag:s24] =	dma.local @p0 [hbm:s19], $0x280  }
0x76: {  	_ =	swait.ge @p0 [sflag:s25], $0x280  }
0x77: {  	[sflag:s25] =	ssyncset.done @p0 $0x0  }
0x78: {  	s19 =	simm.s32 @!p0 $0x3;
	[sflag:s25] =	ssyncadd.s32 @p0 $0xFFFFFD80  }
0x79: {  	[spmem:s22], [sflag:s21] =	dma.local @!p0 [hbm:s13], $0x400  }
0x7a: {  	_ =	swait.ge @!p0 [sflag:s19], $0x400  }
0x7b: {  	[sflag:s19] =	ssyncset.done @!p0 $0x0  }
0x7c: {  	[sflag:s19] =	ssyncadd.s32 @!p0 $0xFFFFFC00  }
0x7d: {  	[tilespmem:s2], [sflag:$0x3] =	stream.linear.gather [hbm4b:s14+s2], $0x200, $0x38;
	[tilespmem:$0x12140] =	vst v63  }
0x7e: {  	_ =	swait.ge [sflag:s17], $0x200  }
0x7f: {  	[sflag:s17] =	ssyncset.done $0x0  }
0x80: {  	[sflag:s17] =	ssyncadd.s32 $0xFFFFFE00  }
0x81: {  	[bflag:$0x0] =	sbarrier.arrive $0xFFFF  }
0x82: {  	[tilespmem:s15], [sflag:$0x1] =	stream.indirect.gather [spmem:s3], $0x80, s2, s16, $0xb8;
	[tilespmem:$0x12140] =	vst v63  }
0x83: {  	_ = 	snop  }
0x84: {  	[tilespmem:s11], [sflag:$0x1] =	stream.indirect.gather [spmem:s3], $0x80, s16, s16, $0xb8;
	[tilespmem:$0x12140] =	vst v63  }
0x85: {  	_ = 	snop  }
0x86: {  	[tilespmem:s10], [sflag:$0x1] =	stream.indirect.gather [spmem:s3], $0x80, s18, s16, $0xb8;
	[tilespmem:$0x12140] =	vst v63  }
0x87: {  	_ = 	snop  }
0x88: {  	[tilespmem:s9], [sflag:$0x1] =	stream.indirect.gather [spmem:s3], $0x80, s20, s16, $0xb8;
	[tilespmem:$0x12140] =	vst v63  }
0x89: {  	_ =	swait.ge [sflag:s12], $0x4000  }
0x8a: {  	[sflag:s12] =	ssyncset.done $0x0  }
0x8b: {  	[sflag:s12] =	ssyncadd.s32 $0xFFFFC000  }
0x8c: {  	[hbm4b:s8+s2] =	stream.linear.scatter [tilespmem:s15], [sflag:$0x2], $0x4000, $0x38;
	[tilespmem:$0x12140] =	vst v63  }
0x8d: {  	_ =	swait.ge [sflag:s12], $0x4000  }
0x8e: {  	[sflag:s12] =	ssyncset.done $0x0  }
0x8f: {  	[sflag:s12] =	ssyncadd.s32 $0xFFFFC000  }
0x90: {  	[hbm4b:s6+s2] =	stream.linear.scatter [tilespmem:s11], [sflag:$0x2], $0x4000, $0x38;
	[tilespmem:$0x12140] =	vst v63  }
0x91: {  	_ =	swait.ge [sflag:s12], $0x4000  }
0x92: {  	[sflag:s12] =	ssyncset.done $0x0  }
0x93: {  	[sflag:s12] =	ssyncadd.s32 $0xFFFFC000  }
0x94: {  	[hbm4b:s5+s2] =	stream.linear.scatter [tilespmem:s10], [sflag:$0x2], $0x4000, $0x38;
	[tilespmem:$0x12140] =	vst v63  }
0x95: {  	_ =	swait.ge [sflag:s12], $0x4000  }
0x96: {  	[sflag:s12] =	ssyncset.done $0x0  }
0x97: {  	[sflag:s12] =	ssyncadd.s32 $0xFFFFC000  }
0x98: {  	[hbm4b:s4+s2] =	stream.linear.scatter [tilespmem:s9], [sflag:$0x2], $0x4000, $0x38;
	[tilespmem:$0x12140] =	vst v63  }
0x99: {  	_ =	swait.ge [sflag:s7], $0x4000  }
0x9a: {  	[sflag:s7] =	ssyncset.done $0x0  }
0x9b: {  	[sflag:s7] =	ssyncadd.s32 $0xFFFFC000  }
0x9c: {  	_ =	swait.ge [sflag:s7], $0x4000  }
0x9d: {  	[sflag:s7] =	ssyncset.done $0x0  }
0x9e: {  	[sflag:s7] =	ssyncadd.s32 $0xFFFFC000  }
0x9f: {  	_ =	swait.ge [sflag:s7], $0x4000  }
0xa0: {  	[sflag:s7] =	ssyncset.done $0x0  }
0xa1: {  	[sflag:s7] =	ssyncadd.s32 $0xFFFFC000  }
0xa2: {  	_ =	swait.ge [sflag:s7], $0x4000  }
0xa3: {  	[sflag:s7] =	ssyncset.done $0x0  }
0xa4: {  	[sflag:s7] =	ssyncadd.s32 $0xFFFFC000  }
0xa5: {  	_ =	sfence.sel $0x180000  }
0xa6: {  	[bflag:$0x0] =	sbarrier.arrive $0xFFFF  }
0xa7: {  	p0 =	sne.s32 s1, $0x0;
	_ =	strace $0x90000047  }
0xa8: {  	s0 =	sadd.s32 @!p0 $0x100000, s0;
	[bflag:$0x2] =	sbarrier.arrive $0xFFFF  }
0xa9: {  	[sflag:s0] =	ssyncadd.tile.s32 @!p0 $0x1;
	_ =	shalt  }
.Lfunc_end2:
_tile_overlayer_lowered:
.L_overlay_start_2:
0xaa: {  	(tag) =	ssettag $0x2  }
0xab: {  	s0 =	rddreg [dreg:$0x0];
	s2 =	stileid.u32  }
0xac: {  	s1 =	rddreg [dreg:$0x1];
	p0 =	sne.s32 s2, $0x0  }
0xad: {  	s3 =	rddreg [dreg:$0x2];
	[bflag:$0x3] =	sbarrier.arrive $0xFFFF;
	s2 =	simm.s32 @!p0 $0x1C03  }
0xae: {  	[timem:s3], [sflag:s2] =	dma.local @!p0 [hbm:s0], s1  }
0xaf: {  	s0 =	simm.s32 @!p0 $0x3  }
0xb0: {  	_ =	swait.ge @!p0 [sflag:s0], s1  }
0xb1: {  	s1 =	ssub.s32 @!p0 $0x0, s1;
	[sflag:s0] =	ssyncset.done @!p0 $0x0  }
0xb2: {  	[sflag:s0] =	ssyncadd.s32 @!p0 s1  }
0xb3: {  	[bflag:$0x3] =	sbarrier.arrive $0xFFFF  }
0xb4: {  	_ =	shalt  }

</sc_bundles>
